<compile_context>
chip_gen: v7x
topology: tpu7x:2x2x1
jax: 0.10.2.dev20260603
libtpu: 0.0.44.dev20260713+nightly
codegen_flags: <defaults>
</compile_context>

<pallas_src>
import functools

import jax
import jax.numpy as jnp
from jax import lax
from jax.experimental import pallas as pl
from jax.experimental.pallas import tpu as pltpu
from jax.experimental.pallas import tpu_sc as plsc

TIME_STEPS = 100000
EMBED_DIM = 64
BATCH = 16384
_PAD_DIM = 128

_info = plsc.get_sparse_core_info()
_NC, _NS = _info.num_cores, _info.num_subcores
_NW = _NC * _NS
_B_PER_W = BATCH // _NW
_CHUNK = 128
_CHUNKS = _B_PER_W // _CHUNK


@functools.partial(
    pl.kernel,
    out_type=jax.ShapeDtypeStruct((BATCH, EMBED_DIM), jnp.float32),
    mesh=plsc.VectorSubcoreMesh(core_axis_name="c", subcore_axis_name="s"),
    scratch_types=[
        pltpu.VMEM((_CHUNKS, _CHUNK), jnp.int32),
        pltpu.VMEM((_CHUNKS, _CHUNK, _PAD_DIM), jnp.float32),
        pltpu.SemaphoreType.DMA,
        pltpu.SemaphoreType.DMA,
        pltpu.SemaphoreType.DMA,
        pltpu.SemaphoreType.DMA,
        pltpu.SemaphoreType.DMA,
    ],
    compiler_params=pltpu.CompilerParams(use_tc_tiling_on_sc=False),
)
def _sc_gather(idx_hbm, table_hbm, out_hbm, idx_v, rows_v, s0, s1, s2, s3, wsem):
    wid = lax.axis_index("s") * _NC + lax.axis_index("c")
    base = wid * _B_PER_W
    sems = [s0, s1, s2, s3]
    idx_copies = [
        pltpu.async_copy(
            idx_hbm.at[pl.ds(base + j * _CHUNK, _CHUNK)], idx_v.at[j], sems[j]
        )
        for j in range(_CHUNKS)
    ]
    gathers = []
    for j in range(_CHUNKS):
        idx_copies[j].wait()
        gathers.append(
            pltpu.async_copy(table_hbm.at[idx_v.at[j]], rows_v.at[j], sems[j])
        )
    writes = []
    for j in range(_CHUNKS):
        gathers[j].wait()
        writes.append(
            pltpu.async_copy(
                rows_v.at[j, :, pl.ds(0, EMBED_DIM)],
                out_hbm.at[pl.ds(base + j * _CHUNK, _CHUNK)],
                wsem,
            )
        )
    for w in writes:
        w.wait()


def kernel(t, embeddings):
    tblp = jnp.pad(embeddings, ((0, 0), (0, _PAD_DIM - EMBED_DIM)))
    return _sc_gather(jnp.asarray(t, jnp.int32), tblp)

# --- scband reference (transcript-rebuilt; emitter-appended) ---
"""Pipeline reference for scband-sinusoidal-embeddings-15118284882386 (READ-ONLY COPY).

The authoritative reference and input builder live on the scoring server;
editing this copy changes nothing except your own understanding.
"""

import jax, jax.numpy as jnp
import numpy as np
import math

TIME_STEPS = 100000
EMBED_DIM = 64

def _build_table():
    pos = jnp.arange(0, TIME_STEPS, dtype=jnp.float32)[:, None]
    div = jnp.exp(jnp.arange(0, EMBED_DIM, 2, dtype=jnp.float32) * (-math.log(10000.0) / EMBED_DIM))
    emb = jnp.zeros((TIME_STEPS, EMBED_DIM), dtype=jnp.float32)
    emb = emb.at[:, 0::2].set(jnp.sin(pos * div))
    emb = emb.at[:, 1::2].set(jnp.cos(pos * div))
    return emb

def setup_inputs(seed: int = 0) -> dict:
    key = jax.random.key(seed)
    t = jax.random.randint(key, (16384,), 0, TIME_STEPS, dtype=jnp.int64) if jax.config.jax_enable_x64 else jax.random.randint(key, (16384,), 0, TIME_STEPS, dtype=jnp.int32)
    embeddings = _build_table()
    return {"t": t, "embeddings": embeddings}

def reference(t, embeddings):
    # Faithful translation: embeds = self.embeddings[t]
    embeds = jnp.take(embeddings, t, axis=0)
    return embeds

if __name__ == "__main__":
    import jax
    _d = setup_inputs()
    print(jax.jit(kernel)(*tuple(_d.values())))

</pallas_src>

<mosaic_0001>
#map = affine_map<(d0, d1) -> (0)>
#map1 = affine_map<(d0, d1) -> (0, 0)>
module attributes {stable_mosaic.version = 14 : i64} {
  func.func @_sc_gather(%arg0: i32, %arg1: i32, %arg2: memref<16384xi32, #tpu.memory_space<hbm>>, %arg3: memref<100000x128xf32, #tpu.memory_space<hbm>>, %arg4: memref<16384x64xf32, #tpu.memory_space<hbm>>, %arg5: memref<4x128xi32, #tpu.memory_space<vmem>>, %arg6: memref<4x128x128xf32, #tpu.memory_space<vmem>>, %arg7: memref<!tpu.dma_semaphore, #tpu.memory_space<semaphore_mem>>, %arg8: memref<!tpu.dma_semaphore, #tpu.memory_space<semaphore_mem>>, %arg9: memref<!tpu.dma_semaphore, #tpu.memory_space<semaphore_mem>>, %arg10: memref<!tpu.dma_semaphore, #tpu.memory_space<semaphore_mem>>, %arg11: memref<!tpu.dma_semaphore, #tpu.memory_space<semaphore_mem>>) attributes {dimension_semantics = [#tpu.dimension_semantics<core_parallel>, #tpu.dimension_semantics<subcore_parallel>], iteration_bounds = array<i64: 2, 16>, scalar_prefetch = 0 : i64, scratch_operands = 7 : i64, tpu.core_type = #tpu.core_type<sc_vector_subcore>, window_params = [{transform_indices = #map}, {transform_indices = #map1}, {transform_indices = #map1}]} {
    %mul3A = arith.constant 2 : i32
    %mul3A_0 = arith.muli %arg1, %mul3A : i32
    %add3A = arith.addi %mul3A_0, %arg0 : i32
    %mul3A_1 = arith.constant 512 : i32
    %mul3A_2 = arith.muli %add3A, %mul3A_1 : i32
    %add3A_3 = arith.constant 0 : i32
    %add3A_4 = arith.addi %mul3A_2, %add3A_3 : i32
    %dma_start3A = arith.constant 0 : i32
    %dma_start3A_5 = arith.constant 0 : i32
    %dma_start3A_6 = tpu.memref_slice %arg5[%dma_start3A, %dma_start3A_5] : memref<4x128xi32, #tpu.memory_space<vmem>> -> memref<1x128xi32, #tpu.memory_space<vmem>>
    %dma_start3A_7 = tpu.memref_squeeze %dma_start3A_6 : memref<1x128xi32, #tpu.memory_space<vmem>> -> memref<128xi32, #tpu.memory_space<vmem>>
    %dma_start3A_8 = tpu.memref_slice %arg2[%add3A_4] : memref<16384xi32, #tpu.memory_space<hbm>> -> memref<128xi32, #tpu.memory_space<hbm>>
    %dma_start3A_9 = arith.constant 0 : i32
    %dma_start3A_10 = tpu.memref_slice %arg5[%dma_start3A, %dma_start3A_9] : memref<4x128xi32, #tpu.memory_space<vmem>> -> memref<1x128xi32, #tpu.memory_space<vmem>>
    %dma_start3A_11 = tpu.memref_squeeze %dma_start3A_10 : memref<1x128xi32, #tpu.memory_space<vmem>> -> memref<128xi32, #tpu.memory_space<vmem>>
    %dma_start3A_12 = tpu.memref_slice %arg2[%add3A_4] : memref<16384xi32, #tpu.memory_space<hbm>> -> memref<128xi32, #tpu.memory_space<hbm>>
    tpu.enqueue_dma source(%dma_start3A_12 : memref<128xi32, #tpu.memory_space<hbm>>) target(%dma_start3A_11 : memref<128xi32, #tpu.memory_space<vmem>>) target_semaphore(%arg7 : memref<!tpu.dma_semaphore, #tpu.memory_space<semaphore_mem>>)
    %add3A_13 = arith.constant 128 : i32
    %add3A_14 = arith.addi %mul3A_2, %add3A_13 : i32
    %dma_start3A_15 = arith.constant 1 : i32
    %dma_start3A_16 = arith.constant 0 : i32
    %dma_start3A_17 = tpu.memref_slice %arg5[%dma_start3A_15, %dma_start3A_16] : memref<4x128xi32, #tpu.memory_space<vmem>> -> memref<1x128xi32, #tpu.memory_space<vmem>>
    %dma_start3A_18 = tpu.memref_squeeze %dma_start3A_17 : memref<1x128xi32, #tpu.memory_space<vmem>> -> memref<128xi32, #tpu.memory_space<vmem>>
    %dma_start3A_19 = tpu.memref_slice %arg2[%add3A_14] : memref<16384xi32, #tpu.memory_space<hbm>> -> memref<128xi32, #tpu.memory_space<hbm>>
    %dma_start3A_20 = arith.constant 0 : i32
    %dma_start3A_21 = tpu.memref_slice %arg5[%dma_start3A_15, %dma_start3A_20] : memref<4x128xi32, #tpu.memory_space<vmem>> -> memref<1x128xi32, #tpu.memory_space<vmem>>
    %dma_start3A_22 = tpu.memref_squeeze %dma_start3A_21 : memref<1x128xi32, #tpu.memory_space<vmem>> -> memref<128xi32, #tpu.memory_space<vmem>>
    %dma_start3A_23 = tpu.memref_slice %arg2[%add3A_14] : memref<16384xi32, #tpu.memory_space<hbm>> -> memref<128xi32, #tpu.memory_space<hbm>>
    tpu.enqueue_dma source(%dma_start3A_23 : memref<128xi32, #tpu.memory_space<hbm>>) target(%dma_start3A_22 : memref<128xi32, #tpu.memory_space<vmem>>) target_semaphore(%arg8 : memref<!tpu.dma_semaphore, #tpu.memory_space<semaphore_mem>>)
    %add3A_24 = arith.constant 256 : i32
    %add3A_25 = arith.addi %mul3A_2, %add3A_24 : i32
    %dma_start3A_26 = arith.constant 2 : i32
    %dma_start3A_27 = arith.constant 0 : i32
    %dma_start3A_28 = tpu.memref_slice %arg5[%dma_start3A_26, %dma_start3A_27] : memref<4x128xi32, #tpu.memory_space<vmem>> -> memref<1x128xi32, #tpu.memory_space<vmem>>
    %dma_start3A_29 = tpu.memref_squeeze %dma_start3A_28 : memref<1x128xi32, #tpu.memory_space<vmem>> -> memref<128xi32, #tpu.memory_space<vmem>>
    %dma_start3A_30 = tpu.memref_slice %arg2[%add3A_25] : memref<16384xi32, #tpu.memory_space<hbm>> -> memref<128xi32, #tpu.memory_space<hbm>>
    %dma_start3A_31 = arith.constant 0 : i32
    %dma_start3A_32 = tpu.memref_slice %arg5[%dma_start3A_26, %dma_start3A_31] : memref<4x128xi32, #tpu.memory_space<vmem>> -> memref<1x128xi32, #tpu.memory_space<vmem>>
    %dma_start3A_33 = tpu.memref_squeeze %dma_start3A_32 : memref<1x128xi32, #tpu.memory_space<vmem>> -> memref<128xi32, #tpu.memory_space<vmem>>
    %dma_start3A_34 = tpu.memref_slice %arg2[%add3A_25] : memref<16384xi32, #tpu.memory_space<hbm>> -> memref<128xi32, #tpu.memory_space<hbm>>
    tpu.enqueue_dma source(%dma_start3A_34 : memref<128xi32, #tpu.memory_space<hbm>>) target(%dma_start3A_33 : memref<128xi32, #tpu.memory_space<vmem>>) target_semaphore(%arg9 : memref<!tpu.dma_semaphore, #tpu.memory_space<semaphore_mem>>)
    %add3A_35 = arith.constant 384 : i32
    %add3A_36 = arith.addi %mul3A_2, %add3A_35 : i32
    %dma_start3A_37 = arith.constant 3 : i32
    %dma_start3A_38 = arith.constant 0 : i32
    %dma_start3A_39 = tpu.memref_slice %arg5[%dma_start3A_37, %dma_start3A_38] : memref<4x128xi32, #tpu.memory_space<vmem>> -> memref<1x128xi32, #tpu.memory_space<vmem>>
    %dma_start3A_40 = tpu.memref_squeeze %dma_start3A_39 : memref<1x128xi32, #tpu.memory_space<vmem>> -> memref<128xi32, #tpu.memory_space<vmem>>
    %dma_start3A_41 = tpu.memref_slice %arg2[%add3A_36] : memref<16384xi32, #tpu.memory_space<hbm>> -> memref<128xi32, #tpu.memory_space<hbm>>
    %dma_start3A_42 = arith.constant 0 : i32
    %dma_start3A_43 = tpu.memref_slice %arg5[%dma_start3A_37, %dma_start3A_42] : memref<4x128xi32, #tpu.memory_space<vmem>> -> memref<1x128xi32, #tpu.memory_space<vmem>>
    %dma_start3A_44 = tpu.memref_squeeze %dma_start3A_43 : memref<1x128xi32, #tpu.memory_space<vmem>> -> memref<128xi32, #tpu.memory_space<vmem>>
    %dma_start3A_45 = tpu.memref_slice %arg2[%add3A_36] : memref<16384xi32, #tpu.memory_space<hbm>> -> memref<128xi32, #tpu.memory_space<hbm>>
    tpu.enqueue_dma source(%dma_start3A_45 : memref<128xi32, #tpu.memory_space<hbm>>) target(%dma_start3A_44 : memref<128xi32, #tpu.memory_space<vmem>>) target_semaphore(%arg10 : memref<!tpu.dma_semaphore, #tpu.memory_space<semaphore_mem>>)
    %dma_wait3A = arith.constant 0 : i32
    %dma_wait3A_46 = arith.constant 0 : i32
    %dma_wait3A_47 = tpu.memref_slice %arg5[%dma_wait3A, %dma_wait3A_46] : memref<4x128xi32, #tpu.memory_space<vmem>> -> memref<1x128xi32, #tpu.memory_space<vmem>>
    %dma_wait3A_48 = tpu.memref_squeeze %dma_wait3A_47 : memref<1x128xi32, #tpu.memory_space<vmem>> -> memref<128xi32, #tpu.memory_space<vmem>>
    %dma_wait3A_49 = tpu.memref_slice %arg2[%add3A_4] : memref<16384xi32, #tpu.memory_space<hbm>> -> memref<128xi32, #tpu.memory_space<hbm>>
    %dma_wait3A_50 = arith.constant 0 : i32
    %dma_wait3A_51 = tpu.memref_slice %arg5[%dma_wait3A, %dma_wait3A_50] : memref<4x128xi32, #tpu.memory_space<vmem>> -> memref<1x128xi32, #tpu.memory_space<vmem>>
    %dma_wait3A_52 = tpu.memref_squeeze %dma_wait3A_51 : memref<1x128xi32, #tpu.memory_space<vmem>> -> memref<128xi32, #tpu.memory_space<vmem>>
    %dma_wait3A_53 = tpu.memref_slice %arg2[%add3A_4] : memref<16384xi32, #tpu.memory_space<hbm>> -> memref<128xi32, #tpu.memory_space<hbm>>
    tpu.wait_dma2 semaphore(%arg7 : memref<!tpu.dma_semaphore, #tpu.memory_space<semaphore_mem>>) src(%dma_wait3A_53 : memref<128xi32, #tpu.memory_space<hbm>>) dst(%dma_wait3A_52 : memref<128xi32, #tpu.memory_space<vmem>>)
    %dma_start3A_54 = arith.constant 0 : i32
    %dma_start3A_55 = arith.constant 0 : i32
    %dma_start3A_56 = arith.constant 0 : i32
    %dma_start3A_57 = arith.constant 0 : i32
    %dma_start3A_58 = tpu.memref_slice %arg6[%dma_start3A_55, %dma_start3A_56, %dma_start3A_57] : memref<4x128x128xf32, #tpu.memory_space<vmem>> -> memref<1x128x128xf32, #tpu.memory_space<vmem>>
    %dma_start3A_59 = tpu.memref_squeeze %dma_start3A_58 : memref<1x128x128xf32, #tpu.memory_space<vmem>> -> memref<128x128xf32, #tpu.memory_space<vmem>>
    %dma_start3A_60 = arith.constant 0 : i32
    %dma_start3A_61 = tpu.memref_slice %arg5[%dma_start3A_54, %dma_start3A_60] : memref<4x128xi32, #tpu.memory_space<vmem>> -> memref<1x128xi32, #tpu.memory_space<vmem>>
    %dma_start3A_62 = tpu.memref_squeeze %dma_start3A_61 : memref<1x128xi32, #tpu.memory_space<vmem>> -> memref<128xi32, #tpu.memory_space<vmem>>
    %dma_start3A_63 = arith.constant 0 : i32
    %dma_start3A_64 = arith.constant 0 : i32
    %dma_start3A_65 = tpu.memref_slice %arg3[%dma_start3A_63, %dma_start3A_64] : memref<100000x128xf32, #tpu.memory_space<hbm>> -> memref<100000x128xf32, #tpu.memory_space<hbm>>
    tpu.enqueue_indirect_dma source(%dma_start3A_65 : memref<100000x128xf32, #tpu.memory_space<hbm>>) target(%dma_start3A_59 : memref<128x128xf32, #tpu.memory_space<vmem>>) offsets(%dma_start3A_62 : memref<128xi32, #tpu.memory_space<vmem>>) semaphore(%arg7 : memref<!tpu.dma_semaphore, #tpu.memory_space<semaphore_mem>>)
    %dma_wait3A_66 = arith.constant 1 : i32
    %dma_wait3A_67 = arith.constant 0 : i32
    %dma_wait3A_68 = tpu.memref_slice %arg5[%dma_wait3A_66, %dma_wait3A_67] : memref<4x128xi32, #tpu.memory_space<vmem>> -> memref<1x128xi32, #tpu.memory_space<vmem>>
    %dma_wait3A_69 = tpu.memref_squeeze %dma_wait3A_68 : memref<1x128xi32, #tpu.memory_space<vmem>> -> memref<128xi32, #tpu.memory_space<vmem>>
    %dma_wait3A_70 = tpu.memref_slice %arg2[%add3A_14] : memref<16384xi32, #tpu.memory_space<hbm>> -> memref<128xi32, #tpu.memory_space<hbm>>
    %dma_wait3A_71 = arith.constant 0 : i32
    %dma_wait3A_72 = tpu.memref_slice %arg5[%dma_wait3A_66, %dma_wait3A_71] : memref<4x128xi32, #tpu.memory_space<vmem>> -> memref<1x128xi32, #tpu.memory_space<vmem>>
    %dma_wait3A_73 = tpu.memref_squeeze %dma_wait3A_72 : memref<1x128xi32, #tpu.memory_space<vmem>> -> memref<128xi32, #tpu.memory_space<vmem>>
    %dma_wait3A_74 = tpu.memref_slice %arg2[%add3A_14] : memref<16384xi32, #tpu.memory_space<hbm>> -> memref<128xi32, #tpu.memory_space<hbm>>
    tpu.wait_dma2 semaphore(%arg8 : memref<!tpu.dma_semaphore, #tpu.memory_space<semaphore_mem>>) src(%dma_wait3A_74 : memref<128xi32, #tpu.memory_space<hbm>>) dst(%dma_wait3A_73 : memref<128xi32, #tpu.memory_space<vmem>>)
    %dma_start3A_75 = arith.constant 1 : i32
    %dma_start3A_76 = arith.constant 1 : i32
    %dma_start3A_77 = arith.constant 0 : i32
    %dma_start3A_78 = arith.constant 0 : i32
    %dma_start3A_79 = tpu.memref_slice %arg6[%dma_start3A_76, %dma_start3A_77, %dma_start3A_78] : memref<4x128x128xf32, #tpu.memory_space<vmem>> -> memref<1x128x128xf32, #tpu.memory_space<vmem>>
    %dma_start3A_80 = tpu.memref_squeeze %dma_start3A_79 : memref<1x128x128xf32, #tpu.memory_space<vmem>> -> memref<128x128xf32, #tpu.memory_space<vmem>>
    %dma_start3A_81 = arith.constant 0 : i32
    %dma_start3A_82 = tpu.memref_slice %arg5[%dma_start3A_75, %dma_start3A_81] : memref<4x128xi32, #tpu.memory_space<vmem>> -> memref<1x128xi32, #tpu.memory_space<vmem>>
    %dma_start3A_83 = tpu.memref_squeeze %dma_start3A_82 : memref<1x128xi32, #tpu.memory_space<vmem>> -> memref<128xi32, #tpu.memory_space<vmem>>
    %dma_start3A_84 = arith.constant 0 : i32
    %dma_start3A_85 = arith.constant 0 : i32
    %dma_start3A_86 = tpu.memref_slice %arg3[%dma_start3A_84, %dma_start3A_85] : memref<100000x128xf32, #tpu.memory_space<hbm>> -> memref<100000x128xf32, #tpu.memory_space<hbm>>
    tpu.enqueue_indirect_dma source(%dma_start3A_86 : memref<100000x128xf32, #tpu.memory_space<hbm>>) target(%dma_start3A_80 : memref<128x128xf32, #tpu.memory_space<vmem>>) offsets(%dma_start3A_83 : memref<128xi32, #tpu.memory_space<vmem>>) semaphore(%arg8 : memref<!tpu.dma_semaphore, #tpu.memory_space<semaphore_mem>>)
    %dma_wait3A_87 = arith.constant 2 : i32
    %dma_wait3A_88 = arith.constant 0 : i32
    %dma_wait3A_89 = tpu.memref_slice %arg5[%dma_wait3A_87, %dma_wait3A_88] : memref<4x128xi32, #tpu.memory_space<vmem>> -> memref<1x128xi32, #tpu.memory_space<vmem>>
    %dma_wait3A_90 = tpu.memref_squeeze %dma_wait3A_89 : memref<1x128xi32, #tpu.memory_space<vmem>> -> memref<128xi32, #tpu.memory_space<vmem>>
    %dma_wait3A_91 = tpu.memref_slice %arg2[%add3A_25] : memref<16384xi32, #tpu.memory_space<hbm>> -> memref<128xi32, #tpu.memory_space<hbm>>
    %dma_wait3A_92 = arith.constant 0 : i32
    %dma_wait3A_93 = tpu.memref_slice %arg5[%dma_wait3A_87, %dma_wait3A_92] : memref<4x128xi32, #tpu.memory_space<vmem>> -> memref<1x128xi32, #tpu.memory_space<vmem>>
    %dma_wait3A_94 = tpu.memref_squeeze %dma_wait3A_93 : memref<1x128xi32, #tpu.memory_space<vmem>> -> memref<128xi32, #tpu.memory_space<vmem>>
    %dma_wait3A_95 = tpu.memref_slice %arg2[%add3A_25] : memref<16384xi32, #tpu.memory_space<hbm>> -> memref<128xi32, #tpu.memory_space<hbm>>
    tpu.wait_dma2 semaphore(%arg9 : memref<!tpu.dma_semaphore, #tpu.memory_space<semaphore_mem>>) src(%dma_wait3A_95 : memref<128xi32, #tpu.memory_space<hbm>>) dst(%dma_wait3A_94 : memref<128xi32, #tpu.memory_space<vmem>>)
    %dma_start3A_96 = arith.constant 2 : i32
    %dma_start3A_97 = arith.constant 2 : i32
    %dma_start3A_98 = arith.constant 0 : i32
    %dma_start3A_99 = arith.constant 0 : i32
    %dma_start3A_100 = tpu.memref_slice %arg6[%dma_start3A_97, %dma_start3A_98, %dma_start3A_99] : memref<4x128x128xf32, #tpu.memory_space<vmem>> -> memref<1x128x128xf32, #tpu.memory_space<vmem>>
    %dma_start3A_101 = tpu.memref_squeeze %dma_start3A_100 : memref<1x128x128xf32, #tpu.memory_space<vmem>> -> memref<128x128xf32, #tpu.memory_space<vmem>>
    %dma_start3A_102 = arith.constant 0 : i32
    %dma_start3A_103 = tpu.memref_slice %arg5[%dma_start3A_96, %dma_start3A_102] : memref<4x128xi32, #tpu.memory_space<vmem>> -> memref<1x128xi32, #tpu.memory_space<vmem>>
    %dma_start3A_104 = tpu.memref_squeeze %dma_start3A_103 : memref<1x128xi32, #tpu.memory_space<vmem>> -> memref<128xi32, #tpu.memory_space<vmem>>
    %dma_start3A_105 = arith.constant 0 : i32
    %dma_start3A_106 = arith.constant 0 : i32
    %dma_start3A_107 = tpu.memref_slice %arg3[%dma_start3A_105, %dma_start3A_106] : memref<100000x128xf32, #tpu.memory_space<hbm>> -> memref<100000x128xf32, #tpu.memory_space<hbm>>
    tpu.enqueue_indirect_dma source(%dma_start3A_107 : memref<100000x128xf32, #tpu.memory_space<hbm>>) target(%dma_start3A_101 : memref<128x128xf32, #tpu.memory_space<vmem>>) offsets(%dma_start3A_104 : memref<128xi32, #tpu.memory_space<vmem>>) semaphore(%arg9 : memref<!tpu.dma_semaphore, #tpu.memory_space<semaphore_mem>>)
    %dma_wait3A_108 = arith.constant 3 : i32
    %dma_wait3A_109 = arith.constant 0 : i32
    %dma_wait3A_110 = tpu.memref_slice %arg5[%dma_wait3A_108, %dma_wait3A_109] : memref<4x128xi32, #tpu.memory_space<vmem>> -> memref<1x128xi32, #tpu.memory_space<vmem>>
    %dma_wait3A_111 = tpu.memref_squeeze %dma_wait3A_110 : memref<1x128xi32, #tpu.memory_space<vmem>> -> memref<128xi32, #tpu.memory_space<vmem>>
    %dma_wait3A_112 = tpu.memref_slice %arg2[%add3A_36] : memref<16384xi32, #tpu.memory_space<hbm>> -> memref<128xi32, #tpu.memory_space<hbm>>
    %dma_wait3A_113 = arith.constant 0 : i32
    %dma_wait3A_114 = tpu.memref_slice %arg5[%dma_wait3A_108, %dma_wait3A_113] : memref<4x128xi32, #tpu.memory_space<vmem>> -> memref<1x128xi32, #tpu.memory_space<vmem>>
    %dma_wait3A_115 = tpu.memref_squeeze %dma_wait3A_114 : memref<1x128xi32, #tpu.memory_space<vmem>> -> memref<128xi32, #tpu.memory_space<vmem>>
    %dma_wait3A_116 = tpu.memref_slice %arg2[%add3A_36] : memref<16384xi32, #tpu.memory_space<hbm>> -> memref<128xi32, #tpu.memory_space<hbm>>
    tpu.wait_dma2 semaphore(%arg10 : memref<!tpu.dma_semaphore, #tpu.memory_space<semaphore_mem>>) src(%dma_wait3A_116 : memref<128xi32, #tpu.memory_space<hbm>>) dst(%dma_wait3A_115 : memref<128xi32, #tpu.memory_space<vmem>>)
    %dma_start3A_117 = arith.constant 3 : i32
    %dma_start3A_118 = arith.constant 3 : i32
    %dma_start3A_119 = arith.constant 0 : i32
    %dma_start3A_120 = arith.constant 0 : i32
    %dma_start3A_121 = tpu.memref_slice %arg6[%dma_start3A_118, %dma_start3A_119, %dma_start3A_120] : memref<4x128x128xf32, #tpu.memory_space<vmem>> -> memref<1x128x128xf32, #tpu.memory_space<vmem>>
    %dma_start3A_122 = tpu.memref_squeeze %dma_start3A_121 : memref<1x128x128xf32, #tpu.memory_space<vmem>> -> memref<128x128xf32, #tpu.memory_space<vmem>>
    %dma_start3A_123 = arith.constant 0 : i32
    %dma_start3A_124 = tpu.memref_slice %arg5[%dma_start3A_117, %dma_start3A_123] : memref<4x128xi32, #tpu.memory_space<vmem>> -> memref<1x128xi32, #tpu.memory_space<vmem>>
    %dma_start3A_125 = tpu.memref_squeeze %dma_start3A_124 : memref<1x128xi32, #tpu.memory_space<vmem>> -> memref<128xi32, #tpu.memory_space<vmem>>
    %dma_start3A_126 = arith.constant 0 : i32
    %dma_start3A_127 = arith.constant 0 : i32
    %dma_start3A_128 = tpu.memref_slice %arg3[%dma_start3A_126, %dma_start3A_127] : memref<100000x128xf32, #tpu.memory_space<hbm>> -> memref<100000x128xf32, #tpu.memory_space<hbm>>
    tpu.enqueue_indirect_dma source(%dma_start3A_128 : memref<100000x128xf32, #tpu.memory_space<hbm>>) target(%dma_start3A_122 : memref<128x128xf32, #tpu.memory_space<vmem>>) offsets(%dma_start3A_125 : memref<128xi32, #tpu.memory_space<vmem>>) semaphore(%arg10 : memref<!tpu.dma_semaphore, #tpu.memory_space<semaphore_mem>>)
    %dma_wait3A_129 = arith.constant 0 : i32
    %dma_wait3A_130 = arith.constant 0 : i32
    %dma_wait3A_131 = arith.constant 0 : i32
    %dma_wait3A_132 = arith.constant 0 : i32
    %dma_wait3A_133 = tpu.memref_slice %arg6[%dma_wait3A_130, %dma_wait3A_131, %dma_wait3A_132] : memref<4x128x128xf32, #tpu.memory_space<vmem>> -> memref<1x128x128xf32, #tpu.memory_space<vmem>>
    %dma_wait3A_134 = tpu.memref_squeeze %dma_wait3A_133 : memref<1x128x128xf32, #tpu.memory_space<vmem>> -> memref<128x128xf32, #tpu.memory_space<vmem>>
    %dma_wait3A_135 = arith.constant 0 : i32
    %dma_wait3A_136 = tpu.memref_slice %arg5[%dma_wait3A_129, %dma_wait3A_135] : memref<4x128xi32, #tpu.memory_space<vmem>> -> memref<1x128xi32, #tpu.memory_space<vmem>>
    %dma_wait3A_137 = tpu.memref_squeeze %dma_wait3A_136 : memref<1x128xi32, #tpu.memory_space<vmem>> -> memref<128xi32, #tpu.memory_space<vmem>>
    %dma_wait3A_138 = arith.constant 0 : i32
    %dma_wait3A_139 = arith.constant 0 : i32
    %dma_wait3A_140 = tpu.memref_slice %arg3[%dma_wait3A_138, %dma_wait3A_139] : memref<100000x128xf32, #tpu.memory_space<hbm>> -> memref<100000x128xf32, #tpu.memory_space<hbm>>
    tpu.wait_indirect_dma semaphore(%arg7 : memref<!tpu.dma_semaphore, #tpu.memory_space<semaphore_mem>>) src(%dma_wait3A_140 : memref<100000x128xf32, #tpu.memory_space<hbm>>) dst(%dma_wait3A_134 : memref<128x128xf32, #tpu.memory_space<vmem>>)
    %add3A_141 = arith.constant 0 : i32
    %add3A_142 = arith.addi %mul3A_2, %add3A_141 : i32
    %dma_start3A_143 = arith.constant 0 : i32
    %dma_start3A_144 = arith.constant 0 : i32
    %dma_start3A_145 = arith.constant 0 : i32
    %dma_start3A_146 = tpu.memref_slice %arg6[%dma_start3A_143, %dma_start3A_144, %dma_start3A_145] : memref<4x128x128xf32, #tpu.memory_space<vmem>> -> memref<1x128x64xf32, #tpu.memory_space<vmem>>
    %dma_start3A_147 = tpu.memref_squeeze %dma_start3A_146 : memref<1x128x64xf32, #tpu.memory_space<vmem>> -> memref<128x64xf32, #tpu.memory_space<vmem>>
    %dma_start3A_148 = arith.constant 0 : i32
    %dma_start3A_149 = tpu.memref_slice %arg4[%add3A_142, %dma_start3A_148] : memref<16384x64xf32, #tpu.memory_space<hbm>> -> memref<128x64xf32, #tpu.memory_space<hbm>>
    %dma_start3A_150 = arith.constant 0 : i32
    %dma_start3A_151 = tpu.memref_slice %arg4[%add3A_142, %dma_start3A_150] : memref<16384x64xf32, #tpu.memory_space<hbm>> -> memref<128x64xf32, #tpu.memory_space<hbm>>
    %dma_start3A_152 = arith.constant 0 : i32
    %dma_start3A_153 = arith.constant 0 : i32
    %dma_start3A_154 = tpu.memref_slice %arg6[%dma_start3A_143, %dma_start3A_152, %dma_start3A_153] : memref<4x128x128xf32, #tpu.memory_space<vmem>> -> memref<1x128x64xf32, #tpu.memory_space<vmem>>
    %dma_start3A_155 = tpu.memref_squeeze %dma_start3A_154 : memref<1x128x64xf32, #tpu.memory_space<vmem>> -> memref<128x64xf32, #tpu.memory_space<vmem>>
    tpu.enqueue_dma source(%dma_start3A_155 : memref<128x64xf32, #tpu.memory_space<vmem>>) target(%dma_start3A_151 : memref<128x64xf32, #tpu.memory_space<hbm>>) target_semaphore(%arg11 : memref<!tpu.dma_semaphore, #tpu.memory_space<semaphore_mem>>)
    %dma_wait3A_156 = arith.constant 1 : i32
    %dma_wait3A_157 = arith.constant 1 : i32
    %dma_wait3A_158 = arith.constant 0 : i32
    %dma_wait3A_159 = arith.constant 0 : i32
    %dma_wait3A_160 = tpu.memref_slice %arg6[%dma_wait3A_157, %dma_wait3A_158, %dma_wait3A_159] : memref<4x128x128xf32, #tpu.memory_space<vmem>> -> memref<1x128x128xf32, #tpu.memory_space<vmem>>
    %dma_wait3A_161 = tpu.memref_squeeze %dma_wait3A_160 : memref<1x128x128xf32, #tpu.memory_space<vmem>> -> memref<128x128xf32, #tpu.memory_space<vmem>>
    %dma_wait3A_162 = arith.constant 0 : i32
    %dma_wait3A_163 = tpu.memref_slice %arg5[%dma_wait3A_156, %dma_wait3A_162] : memref<4x128xi32, #tpu.memory_space<vmem>> -> memref<1x128xi32, #tpu.memory_space<vmem>>
    %dma_wait3A_164 = tpu.memref_squeeze %dma_wait3A_163 : memref<1x128xi32, #tpu.memory_space<vmem>> -> memref<128xi32, #tpu.memory_space<vmem>>
    %dma_wait3A_165 = arith.constant 0 : i32
    %dma_wait3A_166 = arith.constant 0 : i32
    %dma_wait3A_167 = tpu.memref_slice %arg3[%dma_wait3A_165, %dma_wait3A_166] : memref<100000x128xf32, #tpu.memory_space<hbm>> -> memref<100000x128xf32, #tpu.memory_space<hbm>>
    tpu.wait_indirect_dma semaphore(%arg8 : memref<!tpu.dma_semaphore, #tpu.memory_space<semaphore_mem>>) src(%dma_wait3A_167 : memref<100000x128xf32, #tpu.memory_space<hbm>>) dst(%dma_wait3A_161 : memref<128x128xf32, #tpu.memory_space<vmem>>)
    %add3A_168 = arith.constant 128 : i32
    %add3A_169 = arith.addi %mul3A_2, %add3A_168 : i32
    %dma_start3A_170 = arith.constant 1 : i32
    %dma_start3A_171 = arith.constant 0 : i32
    %dma_start3A_172 = arith.constant 0 : i32
    %dma_start3A_173 = tpu.memref_slice %arg6[%dma_start3A_170, %dma_start3A_171, %dma_start3A_172] : memref<4x128x128xf32, #tpu.memory_space<vmem>> -> memref<1x128x64xf32, #tpu.memory_space<vmem>>
    %dma_start3A_174 = tpu.memref_squeeze %dma_start3A_173 : memref<1x128x64xf32, #tpu.memory_space<vmem>> -> memref<128x64xf32, #tpu.memory_space<vmem>>
    %dma_start3A_175 = arith.constant 0 : i32
    %dma_start3A_176 = tpu.memref_slice %arg4[%add3A_169, %dma_start3A_175] : memref<16384x64xf32, #tpu.memory_space<hbm>> -> memref<128x64xf32, #tpu.memory_space<hbm>>
    %dma_start3A_177 = arith.constant 0 : i32
    %dma_start3A_178 = tpu.memref_slice %arg4[%add3A_169, %dma_start3A_177] : memref<16384x64xf32, #tpu.memory_space<hbm>> -> memref<128x64xf32, #tpu.memory_space<hbm>>
    %dma_start3A_179 = arith.constant 0 : i32
    %dma_start3A_180 = arith.constant 0 : i32
    %dma_start3A_181 = tpu.memref_slice %arg6[%dma_start3A_170, %dma_start3A_179, %dma_start3A_180] : memref<4x128x128xf32, #tpu.memory_space<vmem>> -> memref<1x128x64xf32, #tpu.memory_space<vmem>>
    %dma_start3A_182 = tpu.memref_squeeze %dma_start3A_181 : memref<1x128x64xf32, #tpu.memory_space<vmem>> -> memref<128x64xf32, #tpu.memory_space<vmem>>
    tpu.enqueue_dma source(%dma_start3A_182 : memref<128x64xf32, #tpu.memory_space<vmem>>) target(%dma_start3A_178 : memref<128x64xf32, #tpu.memory_space<hbm>>) target_semaphore(%arg11 : memref<!tpu.dma_semaphore, #tpu.memory_space<semaphore_mem>>)
    %dma_wait3A_183 = arith.constant 2 : i32
    %dma_wait3A_184 = arith.constant 2 : i32
    %dma_wait3A_185 = arith.constant 0 : i32
    %dma_wait3A_186 = arith.constant 0 : i32
    %dma_wait3A_187 = tpu.memref_slice %arg6[%dma_wait3A_184, %dma_wait3A_185, %dma_wait3A_186] : memref<4x128x128xf32, #tpu.memory_space<vmem>> -> memref<1x128x128xf32, #tpu.memory_space<vmem>>
    %dma_wait3A_188 = tpu.memref_squeeze %dma_wait3A_187 : memref<1x128x128xf32, #tpu.memory_space<vmem>> -> memref<128x128xf32, #tpu.memory_space<vmem>>
    %dma_wait3A_189 = arith.constant 0 : i32
    %dma_wait3A_190 = tpu.memref_slice %arg5[%dma_wait3A_183, %dma_wait3A_189] : memref<4x128xi32, #tpu.memory_space<vmem>> -> memref<1x128xi32, #tpu.memory_space<vmem>>
    %dma_wait3A_191 = tpu.memref_squeeze %dma_wait3A_190 : memref<1x128xi32, #tpu.memory_space<vmem>> -> memref<128xi32, #tpu.memory_space<vmem>>
    %dma_wait3A_192 = arith.constant 0 : i32
    %dma_wait3A_193 = arith.constant 0 : i32
    %dma_wait3A_194 = tpu.memref_slice %arg3[%dma_wait3A_192, %dma_wait3A_193] : memref<100000x128xf32, #tpu.memory_space<hbm>> -> memref<100000x128xf32, #tpu.memory_space<hbm>>
    tpu.wait_indirect_dma semaphore(%arg9 : memref<!tpu.dma_semaphore, #tpu.memory_space<semaphore_mem>>) src(%dma_wait3A_194 : memref<100000x128xf32, #tpu.memory_space<hbm>>) dst(%dma_wait3A_188 : memref<128x128xf32, #tpu.memory_space<vmem>>)
    %add3A_195 = arith.constant 256 : i32
    %add3A_196 = arith.addi %mul3A_2, %add3A_195 : i32
    %dma_start3A_197 = arith.constant 2 : i32
    %dma_start3A_198 = arith.constant 0 : i32
    %dma_start3A_199 = arith.constant 0 : i32
    %dma_start3A_200 = tpu.memref_slice %arg6[%dma_start3A_197, %dma_start3A_198, %dma_start3A_199] : memref<4x128x128xf32, #tpu.memory_space<vmem>> -> memref<1x128x64xf32, #tpu.memory_space<vmem>>
    %dma_start3A_201 = tpu.memref_squeeze %dma_start3A_200 : memref<1x128x64xf32, #tpu.memory_space<vmem>> -> memref<128x64xf32, #tpu.memory_space<vmem>>
    %dma_start3A_202 = arith.constant 0 : i32
    %dma_start3A_203 = tpu.memref_slice %arg4[%add3A_196, %dma_start3A_202] : memref<16384x64xf32, #tpu.memory_space<hbm>> -> memref<128x64xf32, #tpu.memory_space<hbm>>
    %dma_start3A_204 = arith.constant 0 : i32
    %dma_start3A_205 = tpu.memref_slice %arg4[%add3A_196, %dma_start3A_204] : memref<16384x64xf32, #tpu.memory_space<hbm>> -> memref<128x64xf32, #tpu.memory_space<hbm>>
    %dma_start3A_206 = arith.constant 0 : i32
    %dma_start3A_207 = arith.constant 0 : i32
    %dma_start3A_208 = tpu.memref_slice %arg6[%dma_start3A_197, %dma_start3A_206, %dma_start3A_207] : memref<4x128x128xf32, #tpu.memory_space<vmem>> -> memref<1x128x64xf32, #tpu.memory_space<vmem>>
    %dma_start3A_209 = tpu.memref_squeeze %dma_start3A_208 : memref<1x128x64xf32, #tpu.memory_space<vmem>> -> memref<128x64xf32, #tpu.memory_space<vmem>>
    tpu.enqueue_dma source(%dma_start3A_209 : memref<128x64xf32, #tpu.memory_space<vmem>>) target(%dma_start3A_205 : memref<128x64xf32, #tpu.memory_space<hbm>>) target_semaphore(%arg11 : memref<!tpu.dma_semaphore, #tpu.memory_space<semaphore_mem>>)
    %dma_wait3A_210 = arith.constant 3 : i32
    %dma_wait3A_211 = arith.constant 3 : i32
    %dma_wait3A_212 = arith.constant 0 : i32
    %dma_wait3A_213 = arith.constant 0 : i32
    %dma_wait3A_214 = tpu.memref_slice %arg6[%dma_wait3A_211, %dma_wait3A_212, %dma_wait3A_213] : memref<4x128x128xf32, #tpu.memory_space<vmem>> -> memref<1x128x128xf32, #tpu.memory_space<vmem>>
    %dma_wait3A_215 = tpu.memref_squeeze %dma_wait3A_214 : memref<1x128x128xf32, #tpu.memory_space<vmem>> -> memref<128x128xf32, #tpu.memory_space<vmem>>
    %dma_wait3A_216 = arith.constant 0 : i32
    %dma_wait3A_217 = tpu.memref_slice %arg5[%dma_wait3A_210, %dma_wait3A_216] : memref<4x128xi32, #tpu.memory_space<vmem>> -> memref<1x128xi32, #tpu.memory_space<vmem>>
    %dma_wait3A_218 = tpu.memref_squeeze %dma_wait3A_217 : memref<1x128xi32, #tpu.memory_space<vmem>> -> memref<128xi32, #tpu.memory_space<vmem>>
    %dma_wait3A_219 = arith.constant 0 : i32
    %dma_wait3A_220 = arith.constant 0 : i32
    %dma_wait3A_221 = tpu.memref_slice %arg3[%dma_wait3A_219, %dma_wait3A_220] : memref<100000x128xf32, #tpu.memory_space<hbm>> -> memref<100000x128xf32, #tpu.memory_space<hbm>>
    tpu.wait_indirect_dma semaphore(%arg10 : memref<!tpu.dma_semaphore, #tpu.memory_space<semaphore_mem>>) src(%dma_wait3A_221 : memref<100000x128xf32, #tpu.memory_space<hbm>>) dst(%dma_wait3A_215 : memref<128x128xf32, #tpu.memory_space<vmem>>)
    %add3A_222 = arith.constant 384 : i32
    %add3A_223 = arith.addi %mul3A_2, %add3A_222 : i32
    %dma_start3A_224 = arith.constant 3 : i32
    %dma_start3A_225 = arith.constant 0 : i32
    %dma_start3A_226 = arith.constant 0 : i32
    %dma_start3A_227 = tpu.memref_slice %arg6[%dma_start3A_224, %dma_start3A_225, %dma_start3A_226] : memref<4x128x128xf32, #tpu.memory_space<vmem>> -> memref<1x128x64xf32, #tpu.memory_space<vmem>>
    %dma_start3A_228 = tpu.memref_squeeze %dma_start3A_227 : memref<1x128x64xf32, #tpu.memory_space<vmem>> -> memref<128x64xf32, #tpu.memory_space<vmem>>
    %dma_start3A_229 = arith.constant 0 : i32
    %dma_start3A_230 = tpu.memref_slice %arg4[%add3A_223, %dma_start3A_229] : memref<16384x64xf32, #tpu.memory_space<hbm>> -> memref<128x64xf32, #tpu.memory_space<hbm>>
    %dma_start3A_231 = arith.constant 0 : i32
    %dma_start3A_232 = tpu.memref_slice %arg4[%add3A_223, %dma_start3A_231] : memref<16384x64xf32, #tpu.memory_space<hbm>> -> memref<128x64xf32, #tpu.memory_space<hbm>>
    %dma_start3A_233 = arith.constant 0 : i32
    %dma_start3A_234 = arith.constant 0 : i32
    %dma_start3A_235 = tpu.memref_slice %arg6[%dma_start3A_224, %dma_start3A_233, %dma_start3A_234] : memref<4x128x128xf32, #tpu.memory_space<vmem>> -> memref<1x128x64xf32, #tpu.memory_space<vmem>>
    %dma_start3A_236 = tpu.memref_squeeze %dma_start3A_235 : memref<1x128x64xf32, #tpu.memory_space<vmem>> -> memref<128x64xf32, #tpu.memory_space<vmem>>
    tpu.enqueue_dma source(%dma_start3A_236 : memref<128x64xf32, #tpu.memory_space<vmem>>) target(%dma_start3A_232 : memref<128x64xf32, #tpu.memory_space<hbm>>) target_semaphore(%arg11 : memref<!tpu.dma_semaphore, #tpu.memory_space<semaphore_mem>>)
    %dma_wait3A_237 = arith.constant 0 : i32
    %dma_wait3A_238 = arith.constant 0 : i32
    %dma_wait3A_239 = arith.constant 0 : i32
    %dma_wait3A_240 = tpu.memref_slice %arg6[%dma_wait3A_237, %dma_wait3A_238, %dma_wait3A_239] : memref<4x128x128xf32, #tpu.memory_space<vmem>> -> memref<1x128x64xf32, #tpu.memory_space<vmem>>
    %dma_wait3A_241 = tpu.memref_squeeze %dma_wait3A_240 : memref<1x128x64xf32, #tpu.memory_space<vmem>> -> memref<128x64xf32, #tpu.memory_space<vmem>>
    %dma_wait3A_242 = arith.constant 0 : i32
    %dma_wait3A_243 = tpu.memref_slice %arg4[%add3A_142, %dma_wait3A_242] : memref<16384x64xf32, #tpu.memory_space<hbm>> -> memref<128x64xf32, #tpu.memory_space<hbm>>
    %dma_wait3A_244 = arith.constant 0 : i32
    %dma_wait3A_245 = tpu.memref_slice %arg4[%add3A_142, %dma_wait3A_244] : memref<16384x64xf32, #tpu.memory_space<hbm>> -> memref<128x64xf32, #tpu.memory_space<hbm>>
    %dma_wait3A_246 = arith.constant 0 : i32
    %dma_wait3A_247 = arith.constant 0 : i32
    %dma_wait3A_248 = tpu.memref_slice %arg6[%dma_wait3A_237, %dma_wait3A_246, %dma_wait3A_247] : memref<4x128x128xf32, #tpu.memory_space<vmem>> -> memref<1x128x64xf32, #tpu.memory_space<vmem>>
    %dma_wait3A_249 = tpu.memref_squeeze %dma_wait3A_248 : memref<1x128x64xf32, #tpu.memory_space<vmem>> -> memref<128x64xf32, #tpu.memory_space<vmem>>
    tpu.wait_dma2 semaphore(%arg11 : memref<!tpu.dma_semaphore, #tpu.memory_space<semaphore_mem>>) src(%dma_wait3A_249 : memref<128x64xf32, #tpu.memory_space<vmem>>) dst(%dma_wait3A_245 : memref<128x64xf32, #tpu.memory_space<hbm>>)
    %dma_wait3A_250 = arith.constant 1 : i32
    %dma_wait3A_251 = arith.constant 0 : i32
    %dma_wait3A_252 = arith.constant 0 : i32
    %dma_wait3A_253 = tpu.memref_slice %arg6[%dma_wait3A_250, %dma_wait3A_251, %dma_wait3A_252] : memref<4x128x128xf32, #tpu.memory_space<vmem>> -> memref<1x128x64xf32, #tpu.memory_space<vmem>>
    %dma_wait3A_254 = tpu.memref_squeeze %dma_wait3A_253 : memref<1x128x64xf32, #tpu.memory_space<vmem>> -> memref<128x64xf32, #tpu.memory_space<vmem>>
    %dma_wait3A_255 = arith.constant 0 : i32
    %dma_wait3A_256 = tpu.memref_slice %arg4[%add3A_169, %dma_wait3A_255] : memref<16384x64xf32, #tpu.memory_space<hbm>> -> memref<128x64xf32, #tpu.memory_space<hbm>>
    %dma_wait3A_257 = arith.constant 0 : i32
    %dma_wait3A_258 = tpu.memref_slice %arg4[%add3A_169, %dma_wait3A_257] : memref<16384x64xf32, #tpu.memory_space<hbm>> -> memref<128x64xf32, #tpu.memory_space<hbm>>
    %dma_wait3A_259 = arith.constant 0 : i32
    %dma_wait3A_260 = arith.constant 0 : i32
    %dma_wait3A_261 = tpu.memref_slice %arg6[%dma_wait3A_250, %dma_wait3A_259, %dma_wait3A_260] : memref<4x128x128xf32, #tpu.memory_space<vmem>> -> memref<1x128x64xf32, #tpu.memory_space<vmem>>
    %dma_wait3A_262 = tpu.memref_squeeze %dma_wait3A_261 : memref<1x128x64xf32, #tpu.memory_space<vmem>> -> memref<128x64xf32, #tpu.memory_space<vmem>>
    tpu.wait_dma2 semaphore(%arg11 : memref<!tpu.dma_semaphore, #tpu.memory_space<semaphore_mem>>) src(%dma_wait3A_262 : memref<128x64xf32, #tpu.memory_space<vmem>>) dst(%dma_wait3A_258 : memref<128x64xf32, #tpu.memory_space<hbm>>)
    %dma_wait3A_263 = arith.constant 2 : i32
    %dma_wait3A_264 = arith.constant 0 : i32
    %dma_wait3A_265 = arith.constant 0 : i32
    %dma_wait3A_266 = tpu.memref_slice %arg6[%dma_wait3A_263, %dma_wait3A_264, %dma_wait3A_265] : memref<4x128x128xf32, #tpu.memory_space<vmem>> -> memref<1x128x64xf32, #tpu.memory_space<vmem>>
    %dma_wait3A_267 = tpu.memref_squeeze %dma_wait3A_266 : memref<1x128x64xf32, #tpu.memory_space<vmem>> -> memref<128x64xf32, #tpu.memory_space<vmem>>
    %dma_wait3A_268 = arith.constant 0 : i32
    %dma_wait3A_269 = tpu.memref_slice %arg4[%add3A_196, %dma_wait3A_268] : memref<16384x64xf32, #tpu.memory_space<hbm>> -> memref<128x64xf32, #tpu.memory_space<hbm>>
    %dma_wait3A_270 = arith.constant 0 : i32
    %dma_wait3A_271 = tpu.memref_slice %arg4[%add3A_196, %dma_wait3A_270] : memref<16384x64xf32, #tpu.memory_space<hbm>> -> memref<128x64xf32, #tpu.memory_space<hbm>>
    %dma_wait3A_272 = arith.constant 0 : i32
    %dma_wait3A_273 = arith.constant 0 : i32
    %dma_wait3A_274 = tpu.memref_slice %arg6[%dma_wait3A_263, %dma_wait3A_272, %dma_wait3A_273] : memref<4x128x128xf32, #tpu.memory_space<vmem>> -> memref<1x128x64xf32, #tpu.memory_space<vmem>>
    %dma_wait3A_275 = tpu.memref_squeeze %dma_wait3A_274 : memref<1x128x64xf32, #tpu.memory_space<vmem>> -> memref<128x64xf32, #tpu.memory_space<vmem>>
    tpu.wait_dma2 semaphore(%arg11 : memref<!tpu.dma_semaphore, #tpu.memory_space<semaphore_mem>>) src(%dma_wait3A_275 : memref<128x64xf32, #tpu.memory_space<vmem>>) dst(%dma_wait3A_271 : memref<128x64xf32, #tpu.memory_space<hbm>>)
    %dma_wait3A_276 = arith.constant 3 : i32
    %dma_wait3A_277 = arith.constant 0 : i32
    %dma_wait3A_278 = arith.constant 0 : i32
    %dma_wait3A_279 = tpu.memref_slice %arg6[%dma_wait3A_276, %dma_wait3A_277, %dma_wait3A_278] : memref<4x128x128xf32, #tpu.memory_space<vmem>> -> memref<1x128x64xf32, #tpu.memory_space<vmem>>
    %dma_wait3A_280 = tpu.memref_squeeze %dma_wait3A_279 : memref<1x128x64xf32, #tpu.memory_space<vmem>> -> memref<128x64xf32, #tpu.memory_space<vmem>>
    %dma_wait3A_281 = arith.constant 0 : i32
    %dma_wait3A_282 = tpu.memref_slice %arg4[%add3A_223, %dma_wait3A_281] : memref<16384x64xf32, #tpu.memory_space<hbm>> -> memref<128x64xf32, #tpu.memory_space<hbm>>
    %dma_wait3A_283 = arith.constant 0 : i32
    %dma_wait3A_284 = tpu.memref_slice %arg4[%add3A_223, %dma_wait3A_283] : memref<16384x64xf32, #tpu.memory_space<hbm>> -> memref<128x64xf32, #tpu.memory_space<hbm>>
    %dma_wait3A_285 = arith.constant 0 : i32
    %dma_wait3A_286 = arith.constant 0 : i32
    %dma_wait3A_287 = tpu.memref_slice %arg6[%dma_wait3A_276, %dma_wait3A_285, %dma_wait3A_286] : memref<4x128x128xf32, #tpu.memory_space<vmem>> -> memref<1x128x64xf32, #tpu.memory_space<vmem>>
    %dma_wait3A_288 = tpu.memref_squeeze %dma_wait3A_287 : memref<1x128x64xf32, #tpu.memory_space<vmem>> -> memref<128x64xf32, #tpu.memory_space<vmem>>
    tpu.wait_dma2 semaphore(%arg11 : memref<!tpu.dma_semaphore, #tpu.memory_space<semaphore_mem>>) src(%dma_wait3A_288 : memref<128x64xf32, #tpu.memory_space<vmem>>) dst(%dma_wait3A_284 : memref<128x64xf32, #tpu.memory_space<hbm>>)
    return
  }
}

</mosaic_0001>

<sc_bundles>
// kernel: kernel.3.cloned.1.call-start
scs
__scs_entry_jumppad:
0x0: {  	(pc) =	sbr.rel $0x88, $3  }
0x1: {  	(tag) =	ssettag $0x0;
	lr =	simm.s32 $0x1  }
0x2: {  	[smem:$0x3F9F] =	sst lr;
	_ =	strace $0xD0000000  }
0x3: {  	_ = 	snop  }
0x4: {  	_ = 	snop  }
0x5: {  	_ = 	snop  }
0x6: {  	_ = 	snop  }
0x7: {  	_ = 	snop  }
__scs_overlays_trampoline_lowered:
0x8: {  	[smem:$0x3FAE] =	sst s0  }
0x9: {  	[smem:$0x3FAF] =	sst s1  }
0xa: {  	[smem:$0x3FB0] =	sst s2  }
0xb: {  	[smem:$0x3FB1] =	sst s3  }
0xc: {  	[smem:$0x3FB2] =	sst s4  }
0xd: {  	[smem:$0x3FB3] =	sst s5  }
0xe: {  	[smem:$0x3FB4] =	sst s6  }
0xf: {  	[smem:$0x3FB5] =	sst s7  }
0x10: {  	[smem:$0x3FB6] =	sst s8  }
0x11: {  	[smem:$0x3FB7] =	sst s9;
	s0 =	simm.s32 @!p0 $0x0  }
0x12: {  	s1 =	sld [smem:$0x3F9D];
	s0 =	simm.s32 @p0 $0x1  }
0x13: {  	[smem:$0x3FB8] =	sst s0;
	s0 =	simm.s32 @!p1 $0x0  }
0x14: {  	s2 =	sld [smem:$0x3F9C];
	s0 =	simm.s32 @p1 $0x1  }
0x15: {  	[smem:$0x3FB9] =	sst s0;
	s0 =	simm.s32 @!p2 $0x0  }
0x16: {  	s3 =	sld [smem:$0x3FDB];
	s0 =	simm.s32 @p2 $0x1  }
0x17: {  	s4 =	simm.s32 $0x1BF5;
	[smem:$0x3FBB] =	sst s0  }
0x18: {  	s0 =	sld [smem:$0x3F9E];
	_ =	swait.ge [sflag:s4], $0x0  }
0x19: {  	s7 =	sld [smem:$0x3F9F]  }
0x1a: {  	s8 =	sadd.s32 $0xFFFFE003, lr  }
0x1b: {  	s9 =	sadd.s32 $0xFFFFFEF7, lr;
	s5 =	simm.s32 $0xFFFFFFFF;
	p2 =	slt.u32 s8, $0xFFFFF086  }
0x1c: {  	p1 =	slt.u32 s9, $0xF7A;
	s5 =	simm.s32 @!p2 $0x0  }
0x1d: {  	s5 =	simm.s32 @p1 $0x1;
	p0 =	seq.s32 s7, s2  }
0x1e: {  	s7 =	smul.u32 @!p0 $0xF7A, s2;
	p2 =	seq.s32 @!p0 s5, $0x0  }
0x1f: {  	s9 =	smul.u32 $0xF7A, s1;
	s8 =	simm.s32 @!p0 $0x1BF5;
	p2 =	por !p2, p0  }
0x20: {  	[sflag:s8] =	ssyncset.s32 @!p0 $0xFFFFF086;
	s6 =	sadd.s32 @!p0 s3, s7;
	s7 =	simm.s32 @!p0 $0x108  }
0x21: {  	s3 =	sadd.s32 s3, s9;
	s6 =	sadd.s32 @!p0 $0x88, s6;
	s7 =	simm.s32 @p2 $0x1082  }
0x22: {  	[simem:s7], [sflag:s8] =	dma.local @!p0 [hbm:s6], $0xF7A  }
0x23: {  	s9 =	sor.u32 $0xD0000000, s2;
	s6 =	simm.s32 $0x108;
	_ =	swait.ge @!p0 [sflag:s8], $0x0  }
0x24: {  	s3 =	sadd.s32 $0x88, s3;
	s6 =	simm.s32 @!p1 $0x1082;
	[sflag:s4] =	ssyncset.s32 $0xFFFFF086  }
0x25: {  	[simem:s6], [sflag:s4] =	dma.local [hbm:s3], $0xF7A  }
0x26: {  	[smem:$0x3F9F] =	sst s1;
	(tag) =	ssettag s2;
	_ =	strace s9  }
0x27: {  	s1 =	sld [smem:$0x3FAF]  }
0x28: {  	s2 =	sld [smem:$0x3FB0]  }
0x29: {  	s4 =	sld [smem:$0x3FB2]  }
0x2a: {  	p0 =	seq.s32 s5, $0x0;
	s5 =	sld [smem:$0x3FB3]  }
0x2b: {  	s6 =	sld [smem:$0x3FB4]  }
0x2c: {  	s7 =	sld [smem:$0x3FB5]  }
0x2d: {  	s3 =	simm.s32 $0x108;
	s8 =	sld [smem:$0x3FB6]  }
0x2e: {  	s3 =	simm.s32 @!p0 $0x1082;
	s9 =	sld [smem:$0x3FB7]  }
0x2f: {  	lr =	sadd.s32 s0, s3;
	s0 =	sld [smem:$0x3FAE]  }
0x30: {  	s3 =	sld [smem:$0x3FB1]  }
0x31: {  	[smem:$0x3FBA] =	sst s10  }
0x32: {  	s10 =	sld [smem:$0x3FB8];
	_ =	sdelay $0x3  }
0x33: {  	p0 =	seq.s32 s10, $0x1;
	s10 =	sld [smem:$0x3FBA];
	_ =	sdelay $0x3  }
0x34: {  	[smem:$0x3FBA] =	sst s10  }
0x35: {  	s10 =	sld [smem:$0x3FB9];
	_ =	sdelay $0x3  }
0x36: {  	p1 =	seq.s32 s10, $0x1;
	s10 =	sld [smem:$0x3FBA];
	_ =	sdelay $0x3  }
0x37: {  	[smem:$0x3FBA] =	sst s10  }
0x38: {  	s10 =	sld [smem:$0x3FBB]  }
0x39: {  	_ = 	snop;
	(pc) =	sbr.ind lr, $3  }
0x3a: {  	_ = 	snop  }
0x3b: {  	_ = 	snop  }
0x3c: {  	p2 =	seq.s32 s10, $0x1;
	s10 =	sld [smem:$0x3FBA]  }
0x3d: {  	_ =	shalt  }
0x3e: {  	_ =	shalt  }
0x3f: {  	_ =	shalt  }
0x40: {  	_ =	shalt  }
0x41: {  	_ =	shalt  }
0x42: {  	_ =	shalt  }
0x43: {  	_ =	shalt  }
0x44: {  	_ =	shalt  }
0x45: {  	_ =	shalt  }
0x46: {  	_ =	shalt  }
0x47: {  	_ =	shalt  }
0x48: {  	_ =	shalt  }
0x49: {  	_ =	shalt  }
0x4a: {  	_ =	shalt  }
0x4b: {  	_ =	shalt  }
0x4c: {  	_ =	shalt  }
0x4d: {  	_ =	shalt  }
0x4e: {  	_ =	shalt  }
0x4f: {  	_ =	shalt  }
0x50: {  	_ =	shalt  }
0x51: {  	_ =	shalt  }
0x52: {  	_ =	shalt  }
0x53: {  	_ =	shalt  }
0x54: {  	_ =	shalt  }
0x55: {  	_ =	shalt  }
0x56: {  	_ =	shalt  }
0x57: {  	_ =	shalt  }
0x58: {  	_ =	shalt  }
0x59: {  	_ =	shalt  }
0x5a: {  	_ =	shalt  }
0x5b: {  	_ =	shalt  }
0x5c: {  	_ =	shalt  }
0x5d: {  	_ =	shalt  }
0x5e: {  	_ =	shalt  }
0x5f: {  	_ =	shalt  }
0x60: {  	_ =	shalt  }
0x61: {  	_ =	shalt  }
0x62: {  	_ =	shalt  }
0x63: {  	_ =	shalt  }
0x64: {  	_ =	shalt  }
0x65: {  	_ =	shalt  }
0x66: {  	_ =	shalt  }
0x67: {  	_ =	shalt  }
0x68: {  	_ =	shalt  }
0x69: {  	_ =	shalt  }
0x6a: {  	_ =	shalt  }
0x6b: {  	_ =	shalt  }
0x6c: {  	_ =	shalt  }
0x6d: {  	_ =	shalt  }
0x6e: {  	_ =	shalt  }
0x6f: {  	_ =	shalt  }
0x70: {  	_ =	shalt  }
0x71: {  	_ =	shalt  }
0x72: {  	_ =	shalt  }
0x73: {  	_ =	shalt  }
0x74: {  	_ =	shalt  }
0x75: {  	_ =	shalt  }
0x76: {  	_ =	shalt  }
0x77: {  	_ =	shalt  }
0x78: {  	_ =	shalt  }
0x79: {  	_ =	shalt  }
0x7a: {  	_ =	shalt  }
0x7b: {  	_ =	shalt  }
0x7c: {  	_ =	shalt  }
0x7d: {  	_ =	shalt  }
0x7e: {  	_ =	shalt  }
0x7f: {  	_ =	shalt  }
0x80: {  	_ =	shalt  }
0x81: {  	_ =	shalt  }
0x82: {  	_ =	shalt  }
0x83: {  	_ =	shalt  }
0x84: {  	_ =	shalt  }
0x85: {  	_ =	shalt  }
0x86: {  	_ =	shalt  }
0x87: {  	_ =	shalt  }
.Lfunc_end0:
.L_simem_size_0:
called_computation_lowered:
.L_overlay_start_0:
0x88: {  	s2 =	sld [smem:$0x3FD9]  }
0x89: {  	s3 =	sld [smem:$0x3FFE];
	_ =	sdelay $0x1  }
0x8a: {  	s1 =	srdreg.scid  }
0x8b: {  	s0 =	sand.u32 $0x1, s1  }
0x8c: {  	s17 =	sshll.u32 s0, $0xA;
	s2 =	sadd.s32 s3, s2  }
0x8d: {  	s2 =	sadd.s32 s2, s17  }
0x8e: {  	[smem:$0x3FC6] =	sst s2  }
0x8f: {  	_ = 	snop  }
0x90: {  	s2 =	sld [smem:$0x3FC9]  }
0x91: {  	s18 =	sld [smem:$0x3FD0];
	(tm) =	ssettm $0x1  }
0x92: {  	s4 =	sld [smem:$0x3FFB];
	_ =	sdelay $0x3  }
0x93: {  	_ =	strace s4  }
0x94: {  	s4 =	sld [smem:$0x3FFC];
	_ =	sdelay $0x3  }
0x95: {  	_ =	strace s4  }
0x96: {  	s4 =	sld [smem:$0x3FFD];
	_ =	sdelay $0x3  }
0x97: {  	_ =	strace s4  }
0x98: {  	_ =	strace $0x8FFFFFFF  }
0x99: {  	s19 =	sld [smem:$0x3FDB];
	_ =	sdelay $0x1  }
0x9a: {  	s5 =	simm.s32 $_scs_section_size  }
0x9b: {  	s6 =	simm.s32 $_size__tile_overlayer_lowered;
	s7 =	simm.s32 $_tile_overlayer_lowered  }
0x9c: {  	s22 =	simm.s32 $0x1BFF;
	s21 =	sshll.u32 s7, $0x1;
	s4 =	sadd.s32 s5, s19  }
0x9d: {  	s8 =	simm.s32 $0x0;
	s20 =	sshll.u32 s6, $0x1;
	s6 =	sadd.s32 s21, s4  }
0x9e: {  	[timem:s8], [sflag:s22] =	dma.local [hbm:s6], s20  }
0x9f: {  	_ =	swait.ge [sflag:s22], s20  }
0xa0: {  	s5 =	ssub.s32 $0x0, s20;
	[sflag:s22] =	ssyncset.done $0x0  }
0xa1: {  	[sflag:s22] =	ssyncadd.s32 s5;
	_ =	sdelay $0x1  }
0xa2: {  	s23 =	simm.s32 $0x1B8B  }
0xa3: {  	_ =	swait.ge [sflag:s23], $0x1  }
0xa4: {  	[sflag:s23] =	ssyncset.done $0x0  }
0xa5: {  	s25 =	simm.s32 $0x1B8E;
	s24 =	sld [smem:$0x3FFE];
	[sflag:s23] =	ssyncadd.s32 $0xFFFFFFFF  }
0xa6: {  	s26 =	simm.s32 $execute0_lowered;
	[smem:$0x3FD2] =	sst s25  }
0xa7: {  	s6 =	sshll.u32 s26, $0x1;
	_ =	strace $0x80000046;
	[dreg:$0x1] =	wrdreg $0xFFFFFFFF  }
0xa8: {  	s28 =	simm.s32 $_size_execute0_lowered;
	s4 =	sadd.s32 s4, s6;
	[dreg:$0x0] =	wrdreg $0x0  }
0xa9: {  	s6 =	sshll.u32 s28, $0x1;
	[dreg:$0x2] =	wrdreg s4  }
0xaa: {  	[dreg:$0x3] =	wrdreg s6  }
0xab: {  	[dreg:$0x4] =	wrdreg $0xC0  }
0xac: {  	_ =	task [dreg:s8], $0x5FFFF  }
0xad: {  	[dreg:$0x1] =	wrdreg $0xFFFFFFFF  }
0xae: {  	[dreg:$0x0] =	wrdreg $0x60  }
0xaf: {  	[dreg:$0x2] =	wrdreg s2  }
0xb0: {  	[dreg:$0x3] =	wrdreg s24  }
0xb1: {  	[dreg:$0x4] =	wrdreg s18  }
0xb2: {  	[dreg:$0x5] =	wrdreg $0x9  }
0xb3: {  	_ =	task.clear_ibuf [dreg:s8], $0x6FFFF;
	_ =	strace $0x90000046  }
0xb4: {  	s29 =	simm.s32 $0x9;
	_ =	strace $0x80000048  }
0xb5: {  	_ =	swait.ge [sflag:s29], $0x1  }
0xb6: {  	[sflag:s29] =	ssyncadd.s32 $0xFFFFFFFF  }
0xb7: {  	_ =	strace $0x90000048  }
0xb8: {  	_ =	sfence  }
0xb9: {  	s30 =	sld [smem:$0x0];
	_ =	sdelay $0x2  }
0xba: {  	s31 =	sshll.u32 s1, $0xD;
	s1 =	sshrl.u32 s1, $0x2  }
0xbb: {  	s3 =	sand.u32 $0x4000, s31;
	s1 =	sadd.s32 s1, s30  }
0xbc: {  	s0 =	sor.u32 s3, s0;
	s1 =	sshll.u32 s1, $0x11  }
0xbd: {  	s0 =	sor.u32 s1, s0  }
0xbe: {  	s0 =	sadd.s32 $0x8F2B, s0  }
0xbf: {  	[sflag:s0] =	ssyncadd.remote.s32 $0x1  }
0xc0: {  	_ =	sfence.sel $0xFFFF  }
0xc1: {  	[dreg:$0x0] =	wrdreg $0xFFFFFFFF;
	(pc) =	sbr.abs _section_cstart, $3  }
0xc2: {  	[dreg:$0x1] =	wrdreg $0xFFFFFFFF  }
0xc3: {  	_ =	task.clear_ibuf [dreg:s8], $0x2FFFF;
	_ =	strace $0x9FFFFFFF  }
0xc4: {  	(tm) =	ssettm $0x7FFFFFFF  }
0xc5: {  	_ =	shalt  }
tec
execute0_lowered:
.L_overlay_start_1:
0x0: {  	(tag) =	ssettag $0x1  }
0x1: {  	s7 =	rddreg [dreg:$0x0]  }
0x2: {  	s3 =	rddreg [dreg:$0x1]  }
0x3: {  	s11 =	rddreg [dreg:$0x2]  }
0x4: {  	s0 =	rddreg [dreg:$0x3]  }
0x5: {  	s2 =	simm.s32 $0x0;
	s4 =	srdreg.scid;
	s1 =	stileid.u32  }
0x6: {  	s15 =	simm.s32 $0x180;
	s16 =	simm.s32 $0x1;
	s17 =	simm.s32 $0x2  }
0x7: {  	s18 =	simm.s32 $0x4200;
	s19 =	simm.s32 $0x3;
	s20 =	simm.s32 $0x8200  }
0x8: {  	s21 =	simm.s32 $0x4;
	s22 =	simm.s32 $0xC200;
	s23 =	simm.s32 $0x5  }
0x9: {  	s24 =	simm.s32 $0x0;
	[smem:$0x7FF] =	sst s2;
	s4 =	sand.u32 $0x1, s4  }
0xa: {  	s6 =	sshll.u32 s1, $0xA;
	s5 =	ssub.s32 $0x2, s4;
	s4 =	sshll.u32 s4, $0x9  }
0xb: {  	s3 =	sadd.s32 $0x186E00, s3;
	s8 =	sshrl.u32 s5, $0x1;
	s9 =	sor.u32 s4, s6  }
0xc: {  	_ =	strace $0x80000047;
	s12 =	ssub.s32 s5, s8;
	s4 =	sshrl.u32 s9, $0x3  }
0xd: {  	s10 =	sor.u32 $0x80, s9;
	s13 =	sor.u32 $0x100, s9;
	s14 =	sor.u32 $0x180, s9  }
0xe: {  	s9 =	sshll.u32 s9, $0x3;
	s4 =	sadd.s32 s7, s4;
	s25 =	sshrl.u32 s10, $0x3  }
0xf: {  	s26 =	sshrl.u32 s13, $0x3;
	s28 =	sshrl.u32 s14, $0x3;
	s8 =	sadd.s32 s11, s9  }
0x10: {  	s29 =	sshll.u32 s10, $0x3;
	s30 =	sshll.u32 s13, $0x3;
	s31 =	sshll.u32 s14, $0x3  }
0x11: {  	s12 =	smax.u32 s12, $0x1;
	s13 =	simm.s32 $0x80;
	s14 =	simm.s32 $0x100  }
0x12: {  	s5 =	sadd.s32 s7, s25;
	s6 =	sadd.s32 s7, s26;
	s7 =	sadd.s32 s7, s28  }
0x13: {  	s9 =	sadd.s32 s11, s29;
	s10 =	sadd.s32 s11, s30;
	s11 =	sadd.s32 s11, s31  }
.LBB2_1:
0x14: {  	[tilespmem:s2], [sflag:$0x1] =	stream.linear.gather [hbm4b:s4+s2], $0x80, $0x38;
	[tilespmem:$0x10200] =	vst v63  }
0x15: {  	_ = 	snop  }
0x16: {  	[tilespmem:s13], [sflag:$0x2] =	stream.linear.gather [hbm4b:s5+s2], $0x80, $0x38;
	[tilespmem:$0x10200] =	vst v63  }
0x17: {  	_ = 	snop  }
0x18: {  	[tilespmem:s14], [sflag:$0x3] =	stream.linear.gather [hbm4b:s6+s2], $0x80, $0x38;
	[tilespmem:$0x10200] =	vst v63  }
0x19: {  	_ = 	snop  }
0x1a: {  	[tilespmem:s15], [sflag:$0x4] =	stream.linear.gather [hbm4b:s7+s2], $0x80, $0x38;
	[tilespmem:$0x10200] =	vst v63  }
0x1b: {  	_ =	swait.ge [sflag:s16], $0x80  }
0x1c: {  	[sflag:s16] =	ssyncset.done $0x0  }
0x1d: {  	s25 =	simm.s32 $0x200;
	[sflag:s16] =	ssyncadd.s32 $0xFFFFFF80  }
0x1e: {  	[tilespmem:s25], [sflag:$0x1] =	stream.indirect.gather [hbm4b:s3+s13], $0x80, s2, s13, $0xb8;
	[tilespmem:$0x10200] =	vst v63  }
0x1f: {  	_ =	swait.ge [sflag:s17], $0x80  }
0x20: {  	[sflag:s17] =	ssyncset.done $0x0  }
0x21: {  	[sflag:s17] =	ssyncadd.s32 $0xFFFFFF80  }
0x22: {  	[tilespmem:s18], [sflag:$0x2] =	stream.indirect.gather [hbm4b:s3+s13], $0x80, s13, s13, $0xb8;
	[tilespmem:$0x10200] =	vst v63  }
0x23: {  	_ =	swait.ge [sflag:s19], $0x80  }
0x24: {  	[sflag:s19] =	ssyncset.done $0x0  }
0x25: {  	[sflag:s19] =	ssyncadd.s32 $0xFFFFFF80  }
0x26: {  	[tilespmem:s20], [sflag:$0x3] =	stream.indirect.gather [hbm4b:s3+s13], $0x80, s14, s13, $0xb8;
	[tilespmem:$0x10200] =	vst v63  }
0x27: {  	_ =	swait.ge [sflag:s21], $0x80  }
0x28: {  	[sflag:s21] =	ssyncset.done $0x0  }
0x29: {  	[sflag:s21] =	ssyncadd.s32 $0xFFFFFF80  }
0x2a: {  	[tilespmem:s22], [sflag:$0x4] =	stream.indirect.gather [hbm4b:s3+s13], $0x80, s15, s13, $0xb8;
	[tilespmem:$0x10200] =	vst v63  }
0x2b: {  	_ =	swait.ge [sflag:s16], $0x4000  }
0x2c: {  	s26 =	simm.s32 $0x8;
	[sflag:s16] =	ssyncset.done $0x0  }
0x2d: {  	s29 =	sadd.s32 $0x0, s8;
	s28 =	simm.s32 $0x280;
	[sflag:s16] =	ssyncadd.s32 $0xFFFFC000  }
.LBB2_2:
0x2e: {  	[hbm4b:s29+s2] =	stream.linear.scatter [tilespmem:s25], [sflag:$0x5], $0x40, $0x38;
	[tilespmem:$0x10200] =	vst v63  }
0x2f: {  	s29 =	smov.u32 s26;
	s25 =	smov.u32 s28;
	p0 =	sne.s32 s26, $0x3F8  }
.Ltmp0:
0x30: {  	s26 =	sadd.s32 $0x8, s26;
	(pc) =	sbr.rel @p0 .LBB2_2-.Ltmp0, $2  }
0x31: {  	_ =	sdelay $0x2  }
0x32: {  	s28 =	sadd.s32 $0x80, s28;
	s29 =	sadd.s32 s29, s8  }
0x33: {  	[hbm4b:s29+s2] =	stream.linear.scatter [tilespmem:s25], [sflag:$0x5], $0x40, $0x38;
	[tilespmem:$0x10200] =	vst v63  }
0x34: {  	_ =	swait.ge [sflag:s17], $0x4000  }
0x35: {  	s25 =	simm.s32 $0x4200;
	s26 =	simm.s32 $0x8;
	[sflag:s17] =	ssyncset.done $0x0  }
0x36: {  	s29 =	sadd.s32 $0x0, s9;
	s28 =	simm.s32 $0x4280;
	[sflag:s17] =	ssyncadd.s32 $0xFFFFC000  }
.LBB2_4:
0x37: {  	[hbm4b:s29+s2] =	stream.linear.scatter [tilespmem:s25], [sflag:$0x5], $0x40, $0x38;
	[tilespmem:$0x10200] =	vst v63  }
0x38: {  	s29 =	smov.u32 s26;
	s25 =	smov.u32 s28;
	p0 =	sne.s32 s26, $0x3F8  }
.Ltmp1:
0x39: {  	s26 =	sadd.s32 $0x8, s26;
	(pc) =	sbr.rel @p0 .LBB2_4-.Ltmp1, $2  }
0x3a: {  	_ =	sdelay $0x2  }
0x3b: {  	s28 =	sadd.s32 $0x80, s28;
	s29 =	sadd.s32 s29, s9  }
0x3c: {  	[hbm4b:s29+s2] =	stream.linear.scatter [tilespmem:s25], [sflag:$0x5], $0x40, $0x38;
	[tilespmem:$0x10200] =	vst v63  }
0x3d: {  	_ =	swait.ge [sflag:s19], $0x4000  }
0x3e: {  	s25 =	simm.s32 $0x8200;
	s26 =	simm.s32 $0x8;
	[sflag:s19] =	ssyncset.done $0x0  }
0x3f: {  	s29 =	sadd.s32 $0x0, s10;
	s28 =	simm.s32 $0x8280;
	[sflag:s19] =	ssyncadd.s32 $0xFFFFC000  }
.LBB2_6:
0x40: {  	[hbm4b:s29+s2] =	stream.linear.scatter [tilespmem:s25], [sflag:$0x5], $0x40, $0x38;
	[tilespmem:$0x10200] =	vst v63  }
0x41: {  	s29 =	smov.u32 s26;
	s25 =	smov.u32 s28;
	p0 =	sne.s32 s26, $0x3F8  }
.Ltmp2:
0x42: {  	s26 =	sadd.s32 $0x8, s26;
	(pc) =	sbr.rel @p0 .LBB2_6-.Ltmp2, $2  }
0x43: {  	_ =	sdelay $0x2  }
0x44: {  	s28 =	sadd.s32 $0x80, s28;
	s29 =	sadd.s32 s29, s10  }
0x45: {  	[hbm4b:s29+s2] =	stream.linear.scatter [tilespmem:s25], [sflag:$0x5], $0x40, $0x38;
	[tilespmem:$0x10200] =	vst v63  }
0x46: {  	_ =	swait.ge [sflag:s21], $0x4000  }
0x47: {  	s25 =	simm.s32 $0xC200;
	s26 =	simm.s32 $0x8;
	[sflag:s21] =	ssyncset.done $0x0  }
0x48: {  	s29 =	sadd.s32 $0x0, s11;
	s28 =	simm.s32 $0xC280;
	[sflag:s21] =	ssyncadd.s32 $0xFFFFC000  }
.LBB2_8:
0x49: {  	[hbm4b:s29+s2] =	stream.linear.scatter [tilespmem:s25], [sflag:$0x5], $0x40, $0x38;
	[tilespmem:$0x10200] =	vst v63  }
0x4a: {  	s29 =	smov.u32 s26;
	s25 =	smov.u32 s28;
	p0 =	sne.s32 s26, $0x3F8  }
.Ltmp3:
0x4b: {  	s26 =	sadd.s32 $0x8, s26;
	(pc) =	sbr.rel @p0 .LBB2_8-.Ltmp3, $2  }
0x4c: {  	_ =	sdelay $0x2  }
0x4d: {  	s28 =	sadd.s32 $0x80, s28;
	s29 =	sadd.s32 s29, s11  }
0x4e: {  	[hbm4b:s29+s2] =	stream.linear.scatter [tilespmem:s25], [sflag:$0x5], $0x40, $0x38;
	[tilespmem:$0x10200] =	vst v63  }
0x4f: {  	_ =	swait.ge [sflag:s23], $0x2000  }
0x50: {  	[sflag:s23] =	ssyncset.done $0x0  }
0x51: {  	[sflag:s23] =	ssyncadd.s32 $0xFFFFE000  }
0x52: {  	_ =	swait.ge [sflag:s23], $0x2000  }
0x53: {  	[sflag:s23] =	ssyncset.done $0x0  }
0x54: {  	s24 =	sadd.s32 $0x1, s24;
	[sflag:s23] =	ssyncadd.s32 $0xFFFFE000  }
0x55: {  	p0 =	sne.s32 s24, s12;
	_ =	swait.ge [sflag:s23], $0x2000  }
.Ltmp4:
0x56: {  	[sflag:s23] =	ssyncset.done $0x0;
	(pc) =	sbr.rel @p0 .LBB2_1-.Ltmp4, $4  }
0x57: {  	[sflag:s23] =	ssyncadd.s32 $0xFFFFE000  }
0x58: {  	_ =	swait.ge [sflag:s23], $0x2000  }
0x59: {  	[sflag:s23] =	ssyncset.done $0x0  }
0x5a: {  	[sflag:s23] =	ssyncadd.s32 $0xFFFFE000  }
0x5b: {  	_ =	sfence.sel $0x180000  }
0x5c: {  	[bflag:$0x0] =	sbarrier.arrive $0xFFFF  }
0x5d: {  	p0 =	sne.s32 s1, $0x0;
	_ =	strace $0x90000047  }
0x5e: {  	s0 =	sadd.s32 @!p0 $0x100000, s0;
	[bflag:$0x2] =	sbarrier.arrive $0xFFFF  }
0x5f: {  	[sflag:s0] =	ssyncadd.tile.s32 @!p0 $0x1;
	_ =	shalt  }
.Lfunc_end2:
_tile_overlayer_lowered:
.L_overlay_start_2:
0x60: {  	(tag) =	ssettag $0x2  }
0x61: {  	s0 =	rddreg [dreg:$0x0];
	s2 =	stileid.u32  }
0x62: {  	s1 =	rddreg [dreg:$0x1];
	p0 =	sne.s32 s2, $0x0  }
0x63: {  	s3 =	rddreg [dreg:$0x2];
	[bflag:$0x3] =	sbarrier.arrive $0xFFFF;
	s2 =	simm.s32 @!p0 $0x1C06  }
0x64: {  	[timem:s3], [sflag:s2] =	dma.local @!p0 [hbm:s0], s1  }
0x65: {  	s0 =	simm.s32 @!p0 $0x6  }
0x66: {  	_ =	swait.ge @!p0 [sflag:s0], s1  }
0x67: {  	s1 =	ssub.s32 @!p0 $0x0, s1;
	[sflag:s0] =	ssyncset.done @!p0 $0x0  }
0x68: {  	[sflag:s0] =	ssyncadd.s32 @!p0 s1  }
0x69: {  	[bflag:$0x3] =	sbarrier.arrive $0xFFFF  }
0x6a: {  	_ =	shalt  }

</sc_bundles>
